<compile_context>
chip_gen: v7x
topology: tpu7x:2x2x1
jax: 0.10.2.dev20260603
libtpu: 0.0.44.dev20260713+nightly
codegen_flags: <defaults>
</compile_context>

<pallas_src>
import functools

import jax
import jax.numpy as jnp
from jax import lax
from jax.experimental import pallas as pl
from jax.experimental.pallas import tpu as pltpu
from jax.experimental.pallas import tpu_sc as plsc

_VOC = 1000000
_ROWS = 4096
_COLS = 200
_D = 64
_B = _ROWS * _COLS
_NC = 2
_NS = 16
_NW = _NC * _NS
_BPW = _B // _NW
_C = 400
_NB = 4
_NCHUNK = _BPW // _C


def _gather_body(
    x_hbm, W_hbm, out_hbm, idx_v,
    buf0, buf1, buf2, buf3,
    sg0, sg1, sg2, sg3, sw0, sw1, sw2, sw3,
):
    wid = lax.axis_index("s") * _NC + lax.axis_index("c")
    base = wid * _BPW
    bufs = (buf0, buf1, buf2, buf3)
    sgs = (sg0, sg1, sg2, sg3)
    sws = (sw0, sw1, sw2, sw3)

    pltpu.sync_copy(x_hbm.at[pl.ds(base, _BPW)], idx_v)

    def start_gather(b, k):
        pltpu.async_copy(W_hbm.at[idx_v.at[pl.ds(k * _C, _C)]], bufs[b], sgs[b])

    def start_wb(b, k):
        pltpu.async_copy(
            bufs[b], out_hbm.at[pl.ds(base + k * _C, _C), pl.ds(0, _D)], sws[b]
        )

    def wait_gather(b):
        pltpu.make_async_copy(W_hbm.at[pl.ds(0, _C)], bufs[b], sgs[b]).wait()

    def wait_wb(b):
        pltpu.make_async_copy(
            bufs[b], out_hbm.at[pl.ds(base, _C), pl.ds(0, _D)], sws[b]
        ).wait()

    for b in range(_NB):
        start_gather(b, b)

    def step(i, carry):
        for b in range(_NB):
            k = _NB * i + b
            wait_gather(b)
            start_wb(b, k)
        for b in range(_NB):
            wait_wb(b)
            start_gather(b, _NB * i + _NB + b)
        return carry

    lax.fori_loop(0, _NCHUNK // _NB - 1, step, 0)

    for b in range(_NB):
        k = _NCHUNK - _NB + b
        wait_gather(b)
        start_wb(b, k)
    for b in range(_NB):
        wait_wb(b)


_gather = functools.partial(
    pl.kernel,
    out_type=jax.ShapeDtypeStruct((_B, 128), jnp.float32),
    mesh=plsc.VectorSubcoreMesh(core_axis_name="c", subcore_axis_name="s"),
    scratch_types=[
        pltpu.VMEM((_BPW,), jnp.int32),
        pltpu.VMEM((_C, _D), jnp.float32),
        pltpu.VMEM((_C, _D), jnp.float32),
        pltpu.VMEM((_C, _D), jnp.float32),
        pltpu.VMEM((_C, _D), jnp.float32),
        pltpu.SemaphoreType.DMA,
        pltpu.SemaphoreType.DMA,
        pltpu.SemaphoreType.DMA,
        pltpu.SemaphoreType.DMA,
        pltpu.SemaphoreType.DMA,
        pltpu.SemaphoreType.DMA,
        pltpu.SemaphoreType.DMA,
        pltpu.SemaphoreType.DMA,
    ],
    compiler_params=pltpu.CompilerParams(use_tc_tiling_on_sc=False),
)(_gather_body)


def _mask_body(x_ref, m_ref):
    m_ref[...] = x_ref[...] != 0


_mask = pl.pallas_call(
    _mask_body,
    out_shape=jax.ShapeDtypeStruct((_ROWS, _COLS), jnp.bool_),
)


def kernel(x, W):
    out = _gather(x.reshape(_B), W)
    pad_mask = _mask(x)
    return out.reshape(_ROWS, _COLS, 128)[..., :_D], pad_mask

# --- scband reference (transcript-rebuilt; emitter-appended) ---
"""Pipeline reference for scband-word-embedding-layer-80857054314981 (READ-ONLY COPY).

The authoritative reference and input builder live on the scoring server;
editing this copy changes nothing except your own understanding.
"""

import jax, jax.numpy as jnp
import numpy as np

VOCAB = 1000000
EMBED_DIM = 64
PAD_TOKEN_ID = 0

def setup_inputs(seed: int = 0) -> dict:
    key = jax.random.key(seed)
    k_idx, k_w = jax.random.split(key)
    x = jax.random.randint(k_idx, (4096, 200), 0, VOCAB, dtype=jnp.int64 if jax.config.jax_enable_x64 else jnp.int32).astype(jnp.int32)
    W = jax.random.normal(k_w, (VOCAB, EMBED_DIM), dtype=jnp.float32) * 0.02
    # padding_idx=0: the padding row of the pretrained matrix copied into nn.Embedding;
    # nn.Embedding sets padding row weights but here pre-trained W is copied as-is.
    return {"x": x, "W": W}


def reference(x, W):
    # pad mask: True where token is NOT the pad token
    pad_mask = ~(x == PAD_TOKEN_ID)
    # embedding lookup: gather rows of W by token id
    embedding = jnp.take(W, x, axis=0)
    # dropout is identity in eval / deterministic reference
    out = embedding
    return (out, pad_mask)

if __name__ == "__main__":
    import jax
    _d = setup_inputs()
    print(jax.jit(kernel)(*tuple(_d.values())))

</pallas_src>

<mosaic_0001>
#map = affine_map<(d0, d1) -> (0)>
#map1 = affine_map<(d0, d1) -> (0, 0)>
module attributes {stable_mosaic.version = 14 : i64} {
  func.func @_gather_body(%arg0: i32, %arg1: i32, %arg2: memref<819200xi32, #tpu.memory_space<hbm>>, %arg3: memref<1000000x64xf32, #tpu.memory_space<hbm>>, %arg4: memref<819200x128xf32, #tpu.memory_space<hbm>>, %arg5: memref<25600xi32, #tpu.memory_space<vmem>>, %arg6: memref<400x64xf32, #tpu.memory_space<vmem>>, %arg7: memref<400x64xf32, #tpu.memory_space<vmem>>, %arg8: memref<400x64xf32, #tpu.memory_space<vmem>>, %arg9: memref<400x64xf32, #tpu.memory_space<vmem>>, %arg10: memref<!tpu.dma_semaphore, #tpu.memory_space<semaphore_mem>>, %arg11: memref<!tpu.dma_semaphore, #tpu.memory_space<semaphore_mem>>, %arg12: memref<!tpu.dma_semaphore, #tpu.memory_space<semaphore_mem>>, %arg13: memref<!tpu.dma_semaphore, #tpu.memory_space<semaphore_mem>>, %arg14: memref<!tpu.dma_semaphore, #tpu.memory_space<semaphore_mem>>, %arg15: memref<!tpu.dma_semaphore, #tpu.memory_space<semaphore_mem>>, %arg16: memref<!tpu.dma_semaphore, #tpu.memory_space<semaphore_mem>>, %arg17: memref<!tpu.dma_semaphore, #tpu.memory_space<semaphore_mem>>) attributes {dimension_semantics = [#tpu.dimension_semantics<core_parallel>, #tpu.dimension_semantics<subcore_parallel>], iteration_bounds = array<i64: 2, 16>, scalar_prefetch = 0 : i64, scratch_operands = 13 : i64, tpu.core_type = #tpu.core_type<sc_vector_subcore>, window_params = [{transform_indices = #map}, {transform_indices = #map1}, {transform_indices = #map1}]} {
    %mul3A = arith.constant 2 : i32
    %mul3A_0 = arith.muli %arg1, %mul3A : i32
    %add3A = arith.addi %mul3A_0, %arg0 : i32
    %mul3A_1 = arith.constant 25600 : i32
    %mul3A_2 = arith.muli %add3A, %mul3A_1 : i32
    "tpu.region"() ({
      %run_scoped3A = tpu.sem_alloc : memref<!tpu.dma_semaphore, #tpu.memory_space<semaphore_mem>>
      %dma_start3A_90 = tpu.memref_slice %arg2[%mul3A_2] : memref<819200xi32, #tpu.memory_space<hbm>> -> memref<25600xi32, #tpu.memory_space<hbm>>
      %dma_start3A_91 = tpu.memref_slice %arg2[%mul3A_2] : memref<819200xi32, #tpu.memory_space<hbm>> -> memref<25600xi32, #tpu.memory_space<hbm>>
      tpu.enqueue_dma source(%dma_start3A_91 : memref<25600xi32, #tpu.memory_space<hbm>>) target(%arg5 : memref<25600xi32, #tpu.memory_space<vmem>>) target_semaphore(%run_scoped3A : memref<!tpu.dma_semaphore, #tpu.memory_space<semaphore_mem>>)
      %dma_wait3A_92 = tpu.memref_slice %arg2[%mul3A_2] : memref<819200xi32, #tpu.memory_space<hbm>> -> memref<25600xi32, #tpu.memory_space<hbm>>
      %dma_wait3A_93 = tpu.memref_slice %arg2[%mul3A_2] : memref<819200xi32, #tpu.memory_space<hbm>> -> memref<25600xi32, #tpu.memory_space<hbm>>
      tpu.wait_dma2 semaphore(%run_scoped3A : memref<!tpu.dma_semaphore, #tpu.memory_space<semaphore_mem>>) src(%dma_wait3A_93 : memref<25600xi32, #tpu.memory_space<hbm>>) dst(%arg5 : memref<25600xi32, #tpu.memory_space<vmem>>)
      tpu.yield
    }) : () -> ()
    %dma_start3A = arith.constant 0 : i32
    %dma_start3A_3 = tpu.memref_slice %arg5[%dma_start3A] : memref<25600xi32, #tpu.memory_space<vmem>> -> memref<400xi32, #tpu.memory_space<vmem>>
    %dma_start3A_4 = arith.constant 0 : i32
    %dma_start3A_5 = arith.constant 0 : i32
    %dma_start3A_6 = tpu.memref_slice %arg3[%dma_start3A_4, %dma_start3A_5] : memref<1000000x64xf32, #tpu.memory_space<hbm>> -> memref<1000000x64xf32, #tpu.memory_space<hbm>>
    tpu.enqueue_indirect_dma source(%dma_start3A_6 : memref<1000000x64xf32, #tpu.memory_space<hbm>>) target(%arg6 : memref<400x64xf32, #tpu.memory_space<vmem>>) offsets(%dma_start3A_3 : memref<400xi32, #tpu.memory_space<vmem>>) semaphore(%arg10 : memref<!tpu.dma_semaphore, #tpu.memory_space<semaphore_mem>>)
    %dma_start3A_7 = arith.constant 400 : i32
    %dma_start3A_8 = tpu.memref_slice %arg5[%dma_start3A_7] : memref<25600xi32, #tpu.memory_space<vmem>> -> memref<400xi32, #tpu.memory_space<vmem>>
    %dma_start3A_9 = arith.constant 0 : i32
    %dma_start3A_10 = arith.constant 0 : i32
    %dma_start3A_11 = tpu.memref_slice %arg3[%dma_start3A_9, %dma_start3A_10] : memref<1000000x64xf32, #tpu.memory_space<hbm>> -> memref<1000000x64xf32, #tpu.memory_space<hbm>>
    tpu.enqueue_indirect_dma source(%dma_start3A_11 : memref<1000000x64xf32, #tpu.memory_space<hbm>>) target(%arg7 : memref<400x64xf32, #tpu.memory_space<vmem>>) offsets(%dma_start3A_8 : memref<400xi32, #tpu.memory_space<vmem>>) semaphore(%arg11 : memref<!tpu.dma_semaphore, #tpu.memory_space<semaphore_mem>>)
    %dma_start3A_12 = arith.constant 800 : i32
    %dma_start3A_13 = tpu.memref_slice %arg5[%dma_start3A_12] : memref<25600xi32, #tpu.memory_space<vmem>> -> memref<400xi32, #tpu.memory_space<vmem>>
    %dma_start3A_14 = arith.constant 0 : i32
    %dma_start3A_15 = arith.constant 0 : i32
    %dma_start3A_16 = tpu.memref_slice %arg3[%dma_start3A_14, %dma_start3A_15] : memref<1000000x64xf32, #tpu.memory_space<hbm>> -> memref<1000000x64xf32, #tpu.memory_space<hbm>>
    tpu.enqueue_indirect_dma source(%dma_start3A_16 : memref<1000000x64xf32, #tpu.memory_space<hbm>>) target(%arg8 : memref<400x64xf32, #tpu.memory_space<vmem>>) offsets(%dma_start3A_13 : memref<400xi32, #tpu.memory_space<vmem>>) semaphore(%arg12 : memref<!tpu.dma_semaphore, #tpu.memory_space<semaphore_mem>>)
    %dma_start3A_17 = arith.constant 1200 : i32
    %dma_start3A_18 = tpu.memref_slice %arg5[%dma_start3A_17] : memref<25600xi32, #tpu.memory_space<vmem>> -> memref<400xi32, #tpu.memory_space<vmem>>
    %dma_start3A_19 = arith.constant 0 : i32
    %dma_start3A_20 = arith.constant 0 : i32
    %dma_start3A_21 = tpu.memref_slice %arg3[%dma_start3A_19, %dma_start3A_20] : memref<1000000x64xf32, #tpu.memory_space<hbm>> -> memref<1000000x64xf32, #tpu.memory_space<hbm>>
    tpu.enqueue_indirect_dma source(%dma_start3A_21 : memref<1000000x64xf32, #tpu.memory_space<hbm>>) target(%arg9 : memref<400x64xf32, #tpu.memory_space<vmem>>) offsets(%dma_start3A_18 : memref<400xi32, #tpu.memory_space<vmem>>) semaphore(%arg13 : memref<!tpu.dma_semaphore, #tpu.memory_space<semaphore_mem>>)
    %scan3A = arith.constant 0 : i32
    %scan3A_22 = arith.constant 0 : i32
    %scan3A_23 = arith.constant 15 : i32
    %scan3A_24 = arith.addi %scan3A_22, %scan3A_23 : i32
    %scan3A_25 = arith.constant 1 : i32
    scf.for %scan3A_90 = %scan3A_22 to %scan3A_24 step %scan3A_25  : i32 {
      %mul3A_91 = arith.constant 4 : i32
      %mul3A_92 = arith.muli %mul3A_91, %scan3A_90 : i32
      %add3A_93 = arith.constant 0 : i32
      %add3A_94 = arith.addi %mul3A_92, %add3A_93 : i32
      %dma_wait3A_95 = arith.constant 0 : i32
      %dma_wait3A_96 = arith.constant 0 : i32
      %dma_wait3A_97 = tpu.memref_slice %arg3[%dma_wait3A_95, %dma_wait3A_96] : memref<1000000x64xf32, #tpu.memory_space<hbm>> -> memref<400x64xf32, #tpu.memory_space<hbm>>
      %dma_wait3A_98 = arith.constant 0 : i32
      %dma_wait3A_99 = arith.constant 0 : i32
      %dma_wait3A_100 = tpu.memref_slice %arg3[%dma_wait3A_98, %dma_wait3A_99] : memref<1000000x64xf32, #tpu.memory_space<hbm>> -> memref<400x64xf32, #tpu.memory_space<hbm>>
      tpu.wait_dma2 semaphore(%arg10 : memref<!tpu.dma_semaphore, #tpu.memory_space<semaphore_mem>>) src(%dma_wait3A_100 : memref<400x64xf32, #tpu.memory_space<hbm>>) dst(%arg6 : memref<400x64xf32, #tpu.memory_space<vmem>>)
      %mul3A_101 = arith.constant 400 : i32
      %mul3A_102 = arith.muli %add3A_94, %mul3A_101 : i32
      %add3A_103 = arith.addi %mul3A_2, %mul3A_102 : i32
      %dma_start3A_104 = arith.constant 0 : i32
      %dma_start3A_105 = tpu.memref_slice %arg4[%add3A_103, %dma_start3A_104] : memref<819200x128xf32, #tpu.memory_space<hbm>> -> memref<400x64xf32, #tpu.memory_space<hbm>>
      %dma_start3A_106 = arith.constant 0 : i32
      %dma_start3A_107 = tpu.memref_slice %arg4[%add3A_103, %dma_start3A_106] : memref<819200x128xf32, #tpu.memory_space<hbm>> -> memref<400x64xf32, #tpu.memory_space<hbm>>
      tpu.enqueue_dma source(%arg6 : memref<400x64xf32, #tpu.memory_space<vmem>>) target(%dma_start3A_107 : memref<400x64xf32, #tpu.memory_space<hbm>>) target_semaphore(%arg14 : memref<!tpu.dma_semaphore, #tpu.memory_space<semaphore_mem>>)
      %mul3A_108 = arith.constant 4 : i32
      %mul3A_109 = arith.muli %mul3A_108, %scan3A_90 : i32
      %add3A_110 = arith.constant 1 : i32
      %add3A_111 = arith.addi %mul3A_109, %add3A_110 : i32
      %dma_wait3A_112 = arith.constant 0 : i32
      %dma_wait3A_113 = arith.constant 0 : i32
      %dma_wait3A_114 = tpu.memref_slice %arg3[%dma_wait3A_112, %dma_wait3A_113] : memref<1000000x64xf32, #tpu.memory_space<hbm>> -> memref<400x64xf32, #tpu.memory_space<hbm>>
      %dma_wait3A_115 = arith.constant 0 : i32
      %dma_wait3A_116 = arith.constant 0 : i32
      %dma_wait3A_117 = tpu.memref_slice %arg3[%dma_wait3A_115, %dma_wait3A_116] : memref<1000000x64xf32, #tpu.memory_space<hbm>> -> memref<400x64xf32, #tpu.memory_space<hbm>>
      tpu.wait_dma2 semaphore(%arg11 : memref<!tpu.dma_semaphore, #tpu.memory_space<semaphore_mem>>) src(%dma_wait3A_117 : memref<400x64xf32, #tpu.memory_space<hbm>>) dst(%arg7 : memref<400x64xf32, #tpu.memory_space<vmem>>)
      %mul3A_118 = arith.constant 400 : i32
      %mul3A_119 = arith.muli %add3A_111, %mul3A_118 : i32
      %add3A_120 = arith.addi %mul3A_2, %mul3A_119 : i32
      %dma_start3A_121 = arith.constant 0 : i32
      %dma_start3A_122 = tpu.memref_slice %arg4[%add3A_120, %dma_start3A_121] : memref<819200x128xf32, #tpu.memory_space<hbm>> -> memref<400x64xf32, #tpu.memory_space<hbm>>
      %dma_start3A_123 = arith.constant 0 : i32
      %dma_start3A_124 = tpu.memref_slice %arg4[%add3A_120, %dma_start3A_123] : memref<819200x128xf32, #tpu.memory_space<hbm>> -> memref<400x64xf32, #tpu.memory_space<hbm>>
      tpu.enqueue_dma source(%arg7 : memref<400x64xf32, #tpu.memory_space<vmem>>) target(%dma_start3A_124 : memref<400x64xf32, #tpu.memory_space<hbm>>) target_semaphore(%arg15 : memref<!tpu.dma_semaphore, #tpu.memory_space<semaphore_mem>>)
      %mul3A_125 = arith.constant 4 : i32
      %mul3A_126 = arith.muli %mul3A_125, %scan3A_90 : i32
      %add3A_127 = arith.constant 2 : i32
      %add3A_128 = arith.addi %mul3A_126, %add3A_127 : i32
      %dma_wait3A_129 = arith.constant 0 : i32
      %dma_wait3A_130 = arith.constant 0 : i32
      %dma_wait3A_131 = tpu.memref_slice %arg3[%dma_wait3A_129, %dma_wait3A_130] : memref<1000000x64xf32, #tpu.memory_space<hbm>> -> memref<400x64xf32, #tpu.memory_space<hbm>>
      %dma_wait3A_132 = arith.constant 0 : i32
      %dma_wait3A_133 = arith.constant 0 : i32
      %dma_wait3A_134 = tpu.memref_slice %arg3[%dma_wait3A_132, %dma_wait3A_133] : memref<1000000x64xf32, #tpu.memory_space<hbm>> -> memref<400x64xf32, #tpu.memory_space<hbm>>
      tpu.wait_dma2 semaphore(%arg12 : memref<!tpu.dma_semaphore, #tpu.memory_space<semaphore_mem>>) src(%dma_wait3A_134 : memref<400x64xf32, #tpu.memory_space<hbm>>) dst(%arg8 : memref<400x64xf32, #tpu.memory_space<vmem>>)
      %mul3A_135 = arith.constant 400 : i32
      %mul3A_136 = arith.muli %add3A_128, %mul3A_135 : i32
      %add3A_137 = arith.addi %mul3A_2, %mul3A_136 : i32
      %dma_start3A_138 = arith.constant 0 : i32
      %dma_start3A_139 = tpu.memref_slice %arg4[%add3A_137, %dma_start3A_138] : memref<819200x128xf32, #tpu.memory_space<hbm>> -> memref<400x64xf32, #tpu.memory_space<hbm>>
      %dma_start3A_140 = arith.constant 0 : i32
      %dma_start3A_141 = tpu.memref_slice %arg4[%add3A_137, %dma_start3A_140] : memref<819200x128xf32, #tpu.memory_space<hbm>> -> memref<400x64xf32, #tpu.memory_space<hbm>>
      tpu.enqueue_dma source(%arg8 : memref<400x64xf32, #tpu.memory_space<vmem>>) target(%dma_start3A_141 : memref<400x64xf32, #tpu.memory_space<hbm>>) target_semaphore(%arg16 : memref<!tpu.dma_semaphore, #tpu.memory_space<semaphore_mem>>)
      %mul3A_142 = arith.constant 4 : i32
      %mul3A_143 = arith.muli %mul3A_142, %scan3A_90 : i32
      %add3A_144 = arith.constant 3 : i32
      %add3A_145 = arith.addi %mul3A_143, %add3A_144 : i32
      %dma_wait3A_146 = arith.constant 0 : i32
      %dma_wait3A_147 = arith.constant 0 : i32
      %dma_wait3A_148 = tpu.memref_slice %arg3[%dma_wait3A_146, %dma_wait3A_147] : memref<1000000x64xf32, #tpu.memory_space<hbm>> -> memref<400x64xf32, #tpu.memory_space<hbm>>
      %dma_wait3A_149 = arith.constant 0 : i32
      %dma_wait3A_150 = arith.constant 0 : i32
      %dma_wait3A_151 = tpu.memref_slice %arg3[%dma_wait3A_149, %dma_wait3A_150] : memref<1000000x64xf32, #tpu.memory_space<hbm>> -> memref<400x64xf32, #tpu.memory_space<hbm>>
      tpu.wait_dma2 semaphore(%arg13 : memref<!tpu.dma_semaphore, #tpu.memory_space<semaphore_mem>>) src(%dma_wait3A_151 : memref<400x64xf32, #tpu.memory_space<hbm>>) dst(%arg9 : memref<400x64xf32, #tpu.memory_space<vmem>>)
      %mul3A_152 = arith.constant 400 : i32
      %mul3A_153 = arith.muli %add3A_145, %mul3A_152 : i32
      %add3A_154 = arith.addi %mul3A_2, %mul3A_153 : i32
      %dma_start3A_155 = arith.constant 0 : i32
      %dma_start3A_156 = tpu.memref_slice %arg4[%add3A_154, %dma_start3A_155] : memref<819200x128xf32, #tpu.memory_space<hbm>> -> memref<400x64xf32, #tpu.memory_space<hbm>>
      %dma_start3A_157 = arith.constant 0 : i32
      %dma_start3A_158 = tpu.memref_slice %arg4[%add3A_154, %dma_start3A_157] : memref<819200x128xf32, #tpu.memory_space<hbm>> -> memref<400x64xf32, #tpu.memory_space<hbm>>
      tpu.enqueue_dma source(%arg9 : memref<400x64xf32, #tpu.memory_space<vmem>>) target(%dma_start3A_158 : memref<400x64xf32, #tpu.memory_space<hbm>>) target_semaphore(%arg17 : memref<!tpu.dma_semaphore, #tpu.memory_space<semaphore_mem>>)
      %dma_wait3A_159 = arith.constant 0 : i32
      %dma_wait3A_160 = tpu.memref_slice %arg4[%mul3A_2, %dma_wait3A_159] : memref<819200x128xf32, #tpu.memory_space<hbm>> -> memref<400x64xf32, #tpu.memory_space<hbm>>
      %dma_wait3A_161 = arith.constant 0 : i32
      %dma_wait3A_162 = tpu.memref_slice %arg4[%mul3A_2, %dma_wait3A_161] : memref<819200x128xf32, #tpu.memory_space<hbm>> -> memref<400x64xf32, #tpu.memory_space<hbm>>
      tpu.wait_dma2 semaphore(%arg14 : memref<!tpu.dma_semaphore, #tpu.memory_space<semaphore_mem>>) src(%arg6 : memref<400x64xf32, #tpu.memory_space<vmem>>) dst(%dma_wait3A_162 : memref<400x64xf32, #tpu.memory_space<hbm>>)
      %mul3A_163 = arith.constant 4 : i32
      %mul3A_164 = arith.muli %mul3A_163, %scan3A_90 : i32
      %add3A_165 = arith.constant 4 : i32
      %add3A_166 = arith.addi %mul3A_164, %add3A_165 : i32
      %add3A_167 = arith.constant 0 : i32
      %add3A_168 = arith.addi %add3A_166, %add3A_167 : i32
      %mul3A_169 = arith.constant 400 : i32
      %mul3A_170 = arith.muli %add3A_168, %mul3A_169 : i32
      %dma_start3A_171 = tpu.memref_slice %arg5[%mul3A_170] : memref<25600xi32, #tpu.memory_space<vmem>> -> memref<400xi32, #tpu.memory_space<vmem>>
      %dma_start3A_172 = arith.constant 0 : i32
      %dma_start3A_173 = arith.constant 0 : i32
      %dma_start3A_174 = tpu.memref_slice %arg3[%dma_start3A_172, %dma_start3A_173] : memref<1000000x64xf32, #tpu.memory_space<hbm>> -> memref<1000000x64xf32, #tpu.memory_space<hbm>>
      tpu.enqueue_indirect_dma source(%dma_start3A_174 : memref<1000000x64xf32, #tpu.memory_space<hbm>>) target(%arg6 : memref<400x64xf32, #tpu.memory_space<vmem>>) offsets(%dma_start3A_171 : memref<400xi32, #tpu.memory_space<vmem>>) semaphore(%arg10 : memref<!tpu.dma_semaphore, #tpu.memory_space<semaphore_mem>>)
      %dma_wait3A_175 = arith.constant 0 : i32
      %dma_wait3A_176 = tpu.memref_slice %arg4[%mul3A_2, %dma_wait3A_175] : memref<819200x128xf32, #tpu.memory_space<hbm>> -> memref<400x64xf32, #tpu.memory_space<hbm>>
      %dma_wait3A_177 = arith.constant 0 : i32
      %dma_wait3A_178 = tpu.memref_slice %arg4[%mul3A_2, %dma_wait3A_177] : memref<819200x128xf32, #tpu.memory_space<hbm>> -> memref<400x64xf32, #tpu.memory_space<hbm>>
      tpu.wait_dma2 semaphore(%arg15 : memref<!tpu.dma_semaphore, #tpu.memory_space<semaphore_mem>>) src(%arg7 : memref<400x64xf32, #tpu.memory_space<vmem>>) dst(%dma_wait3A_178 : memref<400x64xf32, #tpu.memory_space<hbm>>)
      %mul3A_179 = arith.constant 4 : i32
      %mul3A_180 = arith.muli %mul3A_179, %scan3A_90 : i32
      %add3A_181 = arith.constant 4 : i32
      %add3A_182 = arith.addi %mul3A_180, %add3A_181 : i32
      %add3A_183 = arith.constant 1 : i32
      %add3A_184 = arith.addi %add3A_182, %add3A_183 : i32
      %mul3A_185 = arith.constant 400 : i32
      %mul3A_186 = arith.muli %add3A_184, %mul3A_185 : i32
      %dma_start3A_187 = tpu.memref_slice %arg5[%mul3A_186] : memref<25600xi32, #tpu.memory_space<vmem>> -> memref<400xi32, #tpu.memory_space<vmem>>
      %dma_start3A_188 = arith.constant 0 : i32
      %dma_start3A_189 = arith.constant 0 : i32
      %dma_start3A_190 = tpu.memref_slice %arg3[%dma_start3A_188, %dma_start3A_189] : memref<1000000x64xf32, #tpu.memory_space<hbm>> -> memref<1000000x64xf32, #tpu.memory_space<hbm>>
      tpu.enqueue_indirect_dma source(%dma_start3A_190 : memref<1000000x64xf32, #tpu.memory_space<hbm>>) target(%arg7 : memref<400x64xf32, #tpu.memory_space<vmem>>) offsets(%dma_start3A_187 : memref<400xi32, #tpu.memory_space<vmem>>) semaphore(%arg11 : memref<!tpu.dma_semaphore, #tpu.memory_space<semaphore_mem>>)
      %dma_wait3A_191 = arith.constant 0 : i32
      %dma_wait3A_192 = tpu.memref_slice %arg4[%mul3A_2, %dma_wait3A_191] : memref<819200x128xf32, #tpu.memory_space<hbm>> -> memref<400x64xf32, #tpu.memory_space<hbm>>
      %dma_wait3A_193 = arith.constant 0 : i32
      %dma_wait3A_194 = tpu.memref_slice %arg4[%mul3A_2, %dma_wait3A_193] : memref<819200x128xf32, #tpu.memory_space<hbm>> -> memref<400x64xf32, #tpu.memory_space<hbm>>
      tpu.wait_dma2 semaphore(%arg16 : memref<!tpu.dma_semaphore, #tpu.memory_space<semaphore_mem>>) src(%arg8 : memref<400x64xf32, #tpu.memory_space<vmem>>) dst(%dma_wait3A_194 : memref<400x64xf32, #tpu.memory_space<hbm>>)
      %mul3A_195 = arith.constant 4 : i32
      %mul3A_196 = arith.muli %mul3A_195, %scan3A_90 : i32
      %add3A_197 = arith.constant 4 : i32
      %add3A_198 = arith.addi %mul3A_196, %add3A_197 : i32
      %add3A_199 = arith.constant 2 : i32
      %add3A_200 = arith.addi %add3A_198, %add3A_199 : i32
      %mul3A_201 = arith.constant 400 : i32
      %mul3A_202 = arith.muli %add3A_200, %mul3A_201 : i32
      %dma_start3A_203 = tpu.memref_slice %arg5[%mul3A_202] : memref<25600xi32, #tpu.memory_space<vmem>> -> memref<400xi32, #tpu.memory_space<vmem>>
      %dma_start3A_204 = arith.constant 0 : i32
      %dma_start3A_205 = arith.constant 0 : i32
      %dma_start3A_206 = tpu.memref_slice %arg3[%dma_start3A_204, %dma_start3A_205] : memref<1000000x64xf32, #tpu.memory_space<hbm>> -> memref<1000000x64xf32, #tpu.memory_space<hbm>>
      tpu.enqueue_indirect_dma source(%dma_start3A_206 : memref<1000000x64xf32, #tpu.memory_space<hbm>>) target(%arg8 : memref<400x64xf32, #tpu.memory_space<vmem>>) offsets(%dma_start3A_203 : memref<400xi32, #tpu.memory_space<vmem>>) semaphore(%arg12 : memref<!tpu.dma_semaphore, #tpu.memory_space<semaphore_mem>>)
      %dma_wait3A_207 = arith.constant 0 : i32
      %dma_wait3A_208 = tpu.memref_slice %arg4[%mul3A_2, %dma_wait3A_207] : memref<819200x128xf32, #tpu.memory_space<hbm>> -> memref<400x64xf32, #tpu.memory_space<hbm>>
      %dma_wait3A_209 = arith.constant 0 : i32
      %dma_wait3A_210 = tpu.memref_slice %arg4[%mul3A_2, %dma_wait3A_209] : memref<819200x128xf32, #tpu.memory_space<hbm>> -> memref<400x64xf32, #tpu.memory_space<hbm>>
      tpu.wait_dma2 semaphore(%arg17 : memref<!tpu.dma_semaphore, #tpu.memory_space<semaphore_mem>>) src(%arg9 : memref<400x64xf32, #tpu.memory_space<vmem>>) dst(%dma_wait3A_210 : memref<400x64xf32, #tpu.memory_space<hbm>>)
      %mul3A_211 = arith.constant 4 : i32
      %mul3A_212 = arith.muli %mul3A_211, %scan3A_90 : i32
      %add3A_213 = arith.constant 4 : i32
      %add3A_214 = arith.addi %mul3A_212, %add3A_213 : i32
      %add3A_215 = arith.constant 3 : i32
      %add3A_216 = arith.addi %add3A_214, %add3A_215 : i32
      %mul3A_217 = arith.constant 400 : i32
      %mul3A_218 = arith.muli %add3A_216, %mul3A_217 : i32
      %dma_start3A_219 = tpu.memref_slice %arg5[%mul3A_218] : memref<25600xi32, #tpu.memory_space<vmem>> -> memref<400xi32, #tpu.memory_space<vmem>>
      %dma_start3A_220 = arith.constant 0 : i32
      %dma_start3A_221 = arith.constant 0 : i32
      %dma_start3A_222 = tpu.memref_slice %arg3[%dma_start3A_220, %dma_start3A_221] : memref<1000000x64xf32, #tpu.memory_space<hbm>> -> memref<1000000x64xf32, #tpu.memory_space<hbm>>
      tpu.enqueue_indirect_dma source(%dma_start3A_222 : memref<1000000x64xf32, #tpu.memory_space<hbm>>) target(%arg9 : memref<400x64xf32, #tpu.memory_space<vmem>>) offsets(%dma_start3A_219 : memref<400xi32, #tpu.memory_space<vmem>>) semaphore(%arg13 : memref<!tpu.dma_semaphore, #tpu.memory_space<semaphore_mem>>)
    }
    %scan3A_26 = arith.constant 15 : i32
    %dma_wait3A = arith.constant 0 : i32
    %dma_wait3A_27 = arith.constant 0 : i32
    %dma_wait3A_28 = tpu.memref_slice %arg3[%dma_wait3A, %dma_wait3A_27] : memref<1000000x64xf32, #tpu.memory_space<hbm>> -> memref<400x64xf32, #tpu.memory_space<hbm>>
    %dma_wait3A_29 = arith.constant 0 : i32
    %dma_wait3A_30 = arith.constant 0 : i32
    %dma_wait3A_31 = tpu.memref_slice %arg3[%dma_wait3A_29, %dma_wait3A_30] : memref<1000000x64xf32, #tpu.memory_space<hbm>> -> memref<400x64xf32, #tpu.memory_space<hbm>>
    tpu.wait_dma2 semaphore(%arg10 : memref<!tpu.dma_semaphore, #tpu.memory_space<semaphore_mem>>) src(%dma_wait3A_31 : memref<400x64xf32, #tpu.memory_space<hbm>>) dst(%arg6 : memref<400x64xf32, #tpu.memory_space<vmem>>)
    %add3A_32 = arith.constant 24000 : i32
    %add3A_33 = arith.addi %mul3A_2, %add3A_32 : i32
    %dma_start3A_34 = arith.constant 0 : i32
    %dma_start3A_35 = tpu.memref_slice %arg4[%add3A_33, %dma_start3A_34] : memref<819200x128xf32, #tpu.memory_space<hbm>> -> memref<400x64xf32, #tpu.memory_space<hbm>>
    %dma_start3A_36 = arith.constant 0 : i32
    %dma_start3A_37 = tpu.memref_slice %arg4[%add3A_33, %dma_start3A_36] : memref<819200x128xf32, #tpu.memory_space<hbm>> -> memref<400x64xf32, #tpu.memory_space<hbm>>
    tpu.enqueue_dma source(%arg6 : memref<400x64xf32, #tpu.memory_space<vmem>>) target(%dma_start3A_37 : memref<400x64xf32, #tpu.memory_space<hbm>>) target_semaphore(%arg14 : memref<!tpu.dma_semaphore, #tpu.memory_space<semaphore_mem>>)
    %dma_wait3A_38 = arith.constant 0 : i32
    %dma_wait3A_39 = arith.constant 0 : i32
    %dma_wait3A_40 = tpu.memref_slice %arg3[%dma_wait3A_38, %dma_wait3A_39] : memref<1000000x64xf32, #tpu.memory_space<hbm>> -> memref<400x64xf32, #tpu.memory_space<hbm>>
    %dma_wait3A_41 = arith.constant 0 : i32
    %dma_wait3A_42 = arith.constant 0 : i32
    %dma_wait3A_43 = tpu.memref_slice %arg3[%dma_wait3A_41, %dma_wait3A_42] : memref<1000000x64xf32, #tpu.memory_space<hbm>> -> memref<400x64xf32, #tpu.memory_space<hbm>>
    tpu.wait_dma2 semaphore(%arg11 : memref<!tpu.dma_semaphore, #tpu.memory_space<semaphore_mem>>) src(%dma_wait3A_43 : memref<400x64xf32, #tpu.memory_space<hbm>>) dst(%arg7 : memref<400x64xf32, #tpu.memory_space<vmem>>)
    %add3A_44 = arith.constant 24400 : i32
    %add3A_45 = arith.addi %mul3A_2, %add3A_44 : i32
    %dma_start3A_46 = arith.constant 0 : i32
    %dma_start3A_47 = tpu.memref_slice %arg4[%add3A_45, %dma_start3A_46] : memref<819200x128xf32, #tpu.memory_space<hbm>> -> memref<400x64xf32, #tpu.memory_space<hbm>>
    %dma_start3A_48 = arith.constant 0 : i32
    %dma_start3A_49 = tpu.memref_slice %arg4[%add3A_45, %dma_start3A_48] : memref<819200x128xf32, #tpu.memory_space<hbm>> -> memref<400x64xf32, #tpu.memory_space<hbm>>
    tpu.enqueue_dma source(%arg7 : memref<400x64xf32, #tpu.memory_space<vmem>>) target(%dma_start3A_49 : memref<400x64xf32, #tpu.memory_space<hbm>>) target_semaphore(%arg15 : memref<!tpu.dma_semaphore, #tpu.memory_space<semaphore_mem>>)
    %dma_wait3A_50 = arith.constant 0 : i32
    %dma_wait3A_51 = arith.constant 0 : i32
    %dma_wait3A_52 = tpu.memref_slice %arg3[%dma_wait3A_50, %dma_wait3A_51] : memref<1000000x64xf32, #tpu.memory_space<hbm>> -> memref<400x64xf32, #tpu.memory_space<hbm>>
    %dma_wait3A_53 = arith.constant 0 : i32
    %dma_wait3A_54 = arith.constant 0 : i32
    %dma_wait3A_55 = tpu.memref_slice %arg3[%dma_wait3A_53, %dma_wait3A_54] : memref<1000000x64xf32, #tpu.memory_space<hbm>> -> memref<400x64xf32, #tpu.memory_space<hbm>>
    tpu.wait_dma2 semaphore(%arg12 : memref<!tpu.dma_semaphore, #tpu.memory_space<semaphore_mem>>) src(%dma_wait3A_55 : memref<400x64xf32, #tpu.memory_space<hbm>>) dst(%arg8 : memref<400x64xf32, #tpu.memory_space<vmem>>)
    %add3A_56 = arith.constant 24800 : i32
    %add3A_57 = arith.addi %mul3A_2, %add3A_56 : i32
    %dma_start3A_58 = arith.constant 0 : i32
    %dma_start3A_59 = tpu.memref_slice %arg4[%add3A_57, %dma_start3A_58] : memref<819200x128xf32, #tpu.memory_space<hbm>> -> memref<400x64xf32, #tpu.memory_space<hbm>>
    %dma_start3A_60 = arith.constant 0 : i32
    %dma_start3A_61 = tpu.memref_slice %arg4[%add3A_57, %dma_start3A_60] : memref<819200x128xf32, #tpu.memory_space<hbm>> -> memref<400x64xf32, #tpu.memory_space<hbm>>
    tpu.enqueue_dma source(%arg8 : memref<400x64xf32, #tpu.memory_space<vmem>>) target(%dma_start3A_61 : memref<400x64xf32, #tpu.memory_space<hbm>>) target_semaphore(%arg16 : memref<!tpu.dma_semaphore, #tpu.memory_space<semaphore_mem>>)
    %dma_wait3A_62 = arith.constant 0 : i32
    %dma_wait3A_63 = arith.constant 0 : i32
    %dma_wait3A_64 = tpu.memref_slice %arg3[%dma_wait3A_62, %dma_wait3A_63] : memref<1000000x64xf32, #tpu.memory_space<hbm>> -> memref<400x64xf32, #tpu.memory_space<hbm>>
    %dma_wait3A_65 = arith.constant 0 : i32
    %dma_wait3A_66 = arith.constant 0 : i32
    %dma_wait3A_67 = tpu.memref_slice %arg3[%dma_wait3A_65, %dma_wait3A_66] : memref<1000000x64xf32, #tpu.memory_space<hbm>> -> memref<400x64xf32, #tpu.memory_space<hbm>>
    tpu.wait_dma2 semaphore(%arg13 : memref<!tpu.dma_semaphore, #tpu.memory_space<semaphore_mem>>) src(%dma_wait3A_67 : memref<400x64xf32, #tpu.memory_space<hbm>>) dst(%arg9 : memref<400x64xf32, #tpu.memory_space<vmem>>)
    %add3A_68 = arith.constant 25200 : i32
    %add3A_69 = arith.addi %mul3A_2, %add3A_68 : i32
    %dma_start3A_70 = arith.constant 0 : i32
    %dma_start3A_71 = tpu.memref_slice %arg4[%add3A_69, %dma_start3A_70] : memref<819200x128xf32, #tpu.memory_space<hbm>> -> memref<400x64xf32, #tpu.memory_space<hbm>>
    %dma_start3A_72 = arith.constant 0 : i32
    %dma_start3A_73 = tpu.memref_slice %arg4[%add3A_69, %dma_start3A_72] : memref<819200x128xf32, #tpu.memory_space<hbm>> -> memref<400x64xf32, #tpu.memory_space<hbm>>
    tpu.enqueue_dma source(%arg9 : memref<400x64xf32, #tpu.memory_space<vmem>>) target(%dma_start3A_73 : memref<400x64xf32, #tpu.memory_space<hbm>>) target_semaphore(%arg17 : memref<!tpu.dma_semaphore, #tpu.memory_space<semaphore_mem>>)
    %dma_wait3A_74 = arith.constant 0 : i32
    %dma_wait3A_75 = tpu.memref_slice %arg4[%mul3A_2, %dma_wait3A_74] : memref<819200x128xf32, #tpu.memory_space<hbm>> -> memref<400x64xf32, #tpu.memory_space<hbm>>
    %dma_wait3A_76 = arith.constant 0 : i32
    %dma_wait3A_77 = tpu.memref_slice %arg4[%mul3A_2, %dma_wait3A_76] : memref<819200x128xf32, #tpu.memory_space<hbm>> -> memref<400x64xf32, #tpu.memory_space<hbm>>
    tpu.wait_dma2 semaphore(%arg14 : memref<!tpu.dma_semaphore, #tpu.memory_space<semaphore_mem>>) src(%arg6 : memref<400x64xf32, #tpu.memory_space<vmem>>) dst(%dma_wait3A_77 : memref<400x64xf32, #tpu.memory_space<hbm>>)
    %dma_wait3A_78 = arith.constant 0 : i32
    %dma_wait3A_79 = tpu.memref_slice %arg4[%mul3A_2, %dma_wait3A_78] : memref<819200x128xf32, #tpu.memory_space<hbm>> -> memref<400x64xf32, #tpu.memory_space<hbm>>
    %dma_wait3A_80 = arith.constant 0 : i32
    %dma_wait3A_81 = tpu.memref_slice %arg4[%mul3A_2, %dma_wait3A_80] : memref<819200x128xf32, #tpu.memory_space<hbm>> -> memref<400x64xf32, #tpu.memory_space<hbm>>
    tpu.wait_dma2 semaphore(%arg15 : memref<!tpu.dma_semaphore, #tpu.memory_space<semaphore_mem>>) src(%arg7 : memref<400x64xf32, #tpu.memory_space<vmem>>) dst(%dma_wait3A_81 : memref<400x64xf32, #tpu.memory_space<hbm>>)
    %dma_wait3A_82 = arith.constant 0 : i32
    %dma_wait3A_83 = tpu.memref_slice %arg4[%mul3A_2, %dma_wait3A_82] : memref<819200x128xf32, #tpu.memory_space<hbm>> -> memref<400x64xf32, #tpu.memory_space<hbm>>
    %dma_wait3A_84 = arith.constant 0 : i32
    %dma_wait3A_85 = tpu.memref_slice %arg4[%mul3A_2, %dma_wait3A_84] : memref<819200x128xf32, #tpu.memory_space<hbm>> -> memref<400x64xf32, #tpu.memory_space<hbm>>
    tpu.wait_dma2 semaphore(%arg16 : memref<!tpu.dma_semaphore, #tpu.memory_space<semaphore_mem>>) src(%arg8 : memref<400x64xf32, #tpu.memory_space<vmem>>) dst(%dma_wait3A_85 : memref<400x64xf32, #tpu.memory_space<hbm>>)
    %dma_wait3A_86 = arith.constant 0 : i32
    %dma_wait3A_87 = tpu.memref_slice %arg4[%mul3A_2, %dma_wait3A_86] : memref<819200x128xf32, #tpu.memory_space<hbm>> -> memref<400x64xf32, #tpu.memory_space<hbm>>
    %dma_wait3A_88 = arith.constant 0 : i32
    %dma_wait3A_89 = tpu.memref_slice %arg4[%mul3A_2, %dma_wait3A_88] : memref<819200x128xf32, #tpu.memory_space<hbm>> -> memref<400x64xf32, #tpu.memory_space<hbm>>
    tpu.wait_dma2 semaphore(%arg17 : memref<!tpu.dma_semaphore, #tpu.memory_space<semaphore_mem>>) src(%arg9 : memref<400x64xf32, #tpu.memory_space<vmem>>) dst(%dma_wait3A_89 : memref<400x64xf32, #tpu.memory_space<hbm>>)
    return
  }
}

module attributes {stable_mosaic.version = 14 : i64} {
  func.func @_mask_body(%arg0: memref<4096x200xi32, #tpu.memory_space<vmem>>, %arg1: memref<4096x200xi32, #tpu.memory_space<vmem>>) attributes {dimension_semantics = [], scalar_prefetch = 0 : i64, scratch_operands = 0 : i64, tpu.core_type = #tpu.core_type<tc>} {
    %get3A = arith.constant 0 : index
    %get3A_0 = arith.constant 0 : index
    %get3A_1 = vector.load %arg0[%get3A, %get3A_0] : memref<4096x200xi32, #tpu.memory_space<vmem>>, vector<4096x200xi32>
    %ne3A = arith.constant 0 : i32
    %ne3A_2 = vector.broadcast %ne3A : i32 to vector<4096x200xi32>
    %ne3A_3 = arith.cmpi ne, %get3A_1, %ne3A_2 : vector<4096x200xi32>
    %swap3A = arith.constant 0 : index
    %swap3A_4 = arith.constant 0 : index
    %swap3A_5 = vector.load %arg1[%swap3A, %swap3A_4] : memref<4096x200xi32, #tpu.memory_space<vmem>>, vector<4096x200xi32>
    %swap3A_6 = arith.extui %ne3A_3 : vector<4096x200xi1> to vector<4096x200xi32>
    %swap3A_7 = arith.constant dense<0> : vector<4096x200xi32>
    %swap3A_8 = arith.cmpi ne, %swap3A_5, %swap3A_7 : vector<4096x200xi32>
    tpu.vector_store %arg1[%swap3A, %swap3A_4], %swap3A_6 {strides = array<i32>} : memref<4096x200xi32, #tpu.memory_space<vmem>>, vector<4096x200xi32>,
    return
  }
}

</mosaic_0001>

<sc_bundles>
// kernel: kernel.4.cloned.1.call-start
scs
__scs_entry_jumppad:
0x0: {  	(pc) =	sbr.rel $0x88, $3  }
0x1: {  	(tag) =	ssettag $0x0;
	lr =	simm.s32 $0x1  }
0x2: {  	[smem:$0x3F9F] =	sst lr;
	_ =	strace $0xD0000000  }
0x3: {  	_ = 	snop  }
0x4: {  	_ = 	snop  }
0x5: {  	_ = 	snop  }
0x6: {  	_ = 	snop  }
0x7: {  	_ = 	snop  }
__scs_overlays_trampoline_lowered:
0x8: {  	[smem:$0x3FAE] =	sst s0  }
0x9: {  	[smem:$0x3FAF] =	sst s1  }
0xa: {  	[smem:$0x3FB0] =	sst s2  }
0xb: {  	[smem:$0x3FB1] =	sst s3  }
0xc: {  	[smem:$0x3FB2] =	sst s4  }
0xd: {  	[smem:$0x3FB3] =	sst s5  }
0xe: {  	[smem:$0x3FB4] =	sst s6  }
0xf: {  	[smem:$0x3FB5] =	sst s7  }
0x10: {  	[smem:$0x3FB6] =	sst s8  }
0x11: {  	[smem:$0x3FB7] =	sst s9;
	s0 =	simm.s32 @!p0 $0x0  }
0x12: {  	s1 =	sld [smem:$0x3F9D];
	s0 =	simm.s32 @p0 $0x1  }
0x13: {  	[smem:$0x3FB8] =	sst s0;
	s0 =	simm.s32 @!p1 $0x0  }
0x14: {  	s2 =	sld [smem:$0x3F9C];
	s0 =	simm.s32 @p1 $0x1  }
0x15: {  	[smem:$0x3FB9] =	sst s0;
	s0 =	simm.s32 @!p2 $0x0  }
0x16: {  	s3 =	sld [smem:$0x3FDB];
	s0 =	simm.s32 @p2 $0x1  }
0x17: {  	s4 =	simm.s32 $0x1BF5;
	[smem:$0x3FBB] =	sst s0  }
0x18: {  	s0 =	sld [smem:$0x3F9E];
	_ =	swait.ge [sflag:s4], $0x0  }
0x19: {  	s7 =	sld [smem:$0x3F9F]  }
0x1a: {  	s8 =	sadd.s32 $0xFFFFE003, lr  }
0x1b: {  	s9 =	sadd.s32 $0xFFFFFEF7, lr;
	s5 =	simm.s32 $0xFFFFFFFF;
	p2 =	slt.u32 s8, $0xFFFFF086  }
0x1c: {  	p1 =	slt.u32 s9, $0xF7A;
	s5 =	simm.s32 @!p2 $0x0  }
0x1d: {  	s5 =	simm.s32 @p1 $0x1;
	p0 =	seq.s32 s7, s2  }
0x1e: {  	s7 =	smul.u32 @!p0 $0xF7A, s2;
	p2 =	seq.s32 @!p0 s5, $0x0  }
0x1f: {  	s9 =	smul.u32 $0xF7A, s1;
	s8 =	simm.s32 @!p0 $0x1BF5;
	p2 =	por !p2, p0  }
0x20: {  	[sflag:s8] =	ssyncset.s32 @!p0 $0xFFFFF086;
	s6 =	sadd.s32 @!p0 s3, s7;
	s7 =	simm.s32 @!p0 $0x108  }
0x21: {  	s3 =	sadd.s32 s3, s9;
	s6 =	sadd.s32 @!p0 $0x88, s6;
	s7 =	simm.s32 @p2 $0x1082  }
0x22: {  	[simem:s7], [sflag:s8] =	dma.local @!p0 [hbm:s6], $0xF7A  }
0x23: {  	s9 =	sor.u32 $0xD0000000, s2;
	s6 =	simm.s32 $0x108;
	_ =	swait.ge @!p0 [sflag:s8], $0x0  }
0x24: {  	s3 =	sadd.s32 $0x88, s3;
	s6 =	simm.s32 @!p1 $0x1082;
	[sflag:s4] =	ssyncset.s32 $0xFFFFF086  }
0x25: {  	[simem:s6], [sflag:s4] =	dma.local [hbm:s3], $0xF7A  }
0x26: {  	[smem:$0x3F9F] =	sst s1;
	(tag) =	ssettag s2;
	_ =	strace s9  }
0x27: {  	s1 =	sld [smem:$0x3FAF]  }
0x28: {  	s2 =	sld [smem:$0x3FB0]  }
0x29: {  	s4 =	sld [smem:$0x3FB2]  }
0x2a: {  	p0 =	seq.s32 s5, $0x0;
	s5 =	sld [smem:$0x3FB3]  }
0x2b: {  	s6 =	sld [smem:$0x3FB4]  }
0x2c: {  	s7 =	sld [smem:$0x3FB5]  }
0x2d: {  	s3 =	simm.s32 $0x108;
	s8 =	sld [smem:$0x3FB6]  }
0x2e: {  	s3 =	simm.s32 @!p0 $0x1082;
	s9 =	sld [smem:$0x3FB7]  }
0x2f: {  	lr =	sadd.s32 s0, s3;
	s0 =	sld [smem:$0x3FAE]  }
0x30: {  	s3 =	sld [smem:$0x3FB1]  }
0x31: {  	[smem:$0x3FBA] =	sst s10  }
0x32: {  	s10 =	sld [smem:$0x3FB8];
	_ =	sdelay $0x3  }
0x33: {  	p0 =	seq.s32 s10, $0x1;
	s10 =	sld [smem:$0x3FBA];
	_ =	sdelay $0x3  }
0x34: {  	[smem:$0x3FBA] =	sst s10  }
0x35: {  	s10 =	sld [smem:$0x3FB9];
	_ =	sdelay $0x3  }
0x36: {  	p1 =	seq.s32 s10, $0x1;
	s10 =	sld [smem:$0x3FBA];
	_ =	sdelay $0x3  }
0x37: {  	[smem:$0x3FBA] =	sst s10  }
0x38: {  	s10 =	sld [smem:$0x3FBB]  }
0x39: {  	_ = 	snop;
	(pc) =	sbr.ind lr, $3  }
0x3a: {  	_ = 	snop  }
0x3b: {  	_ = 	snop  }
0x3c: {  	p2 =	seq.s32 s10, $0x1;
	s10 =	sld [smem:$0x3FBA]  }
0x3d: {  	_ =	shalt  }
0x3e: {  	_ =	shalt  }
0x3f: {  	_ =	shalt  }
0x40: {  	_ =	shalt  }
0x41: {  	_ =	shalt  }
0x42: {  	_ =	shalt  }
0x43: {  	_ =	shalt  }
0x44: {  	_ =	shalt  }
0x45: {  	_ =	shalt  }
0x46: {  	_ =	shalt  }
0x47: {  	_ =	shalt  }
0x48: {  	_ =	shalt  }
0x49: {  	_ =	shalt  }
0x4a: {  	_ =	shalt  }
0x4b: {  	_ =	shalt  }
0x4c: {  	_ =	shalt  }
0x4d: {  	_ =	shalt  }
0x4e: {  	_ =	shalt  }
0x4f: {  	_ =	shalt  }
0x50: {  	_ =	shalt  }
0x51: {  	_ =	shalt  }
0x52: {  	_ =	shalt  }
0x53: {  	_ =	shalt  }
0x54: {  	_ =	shalt  }
0x55: {  	_ =	shalt  }
0x56: {  	_ =	shalt  }
0x57: {  	_ =	shalt  }
0x58: {  	_ =	shalt  }
0x59: {  	_ =	shalt  }
0x5a: {  	_ =	shalt  }
0x5b: {  	_ =	shalt  }
0x5c: {  	_ =	shalt  }
0x5d: {  	_ =	shalt  }
0x5e: {  	_ =	shalt  }
0x5f: {  	_ =	shalt  }
0x60: {  	_ =	shalt  }
0x61: {  	_ =	shalt  }
0x62: {  	_ =	shalt  }
0x63: {  	_ =	shalt  }
0x64: {  	_ =	shalt  }
0x65: {  	_ =	shalt  }
0x66: {  	_ =	shalt  }
0x67: {  	_ =	shalt  }
0x68: {  	_ =	shalt  }
0x69: {  	_ =	shalt  }
0x6a: {  	_ =	shalt  }
0x6b: {  	_ =	shalt  }
0x6c: {  	_ =	shalt  }
0x6d: {  	_ =	shalt  }
0x6e: {  	_ =	shalt  }
0x6f: {  	_ =	shalt  }
0x70: {  	_ =	shalt  }
0x71: {  	_ =	shalt  }
0x72: {  	_ =	shalt  }
0x73: {  	_ =	shalt  }
0x74: {  	_ =	shalt  }
0x75: {  	_ =	shalt  }
0x76: {  	_ =	shalt  }
0x77: {  	_ =	shalt  }
0x78: {  	_ =	shalt  }
0x79: {  	_ =	shalt  }
0x7a: {  	_ =	shalt  }
0x7b: {  	_ =	shalt  }
0x7c: {  	_ =	shalt  }
0x7d: {  	_ =	shalt  }
0x7e: {  	_ =	shalt  }
0x7f: {  	_ =	shalt  }
0x80: {  	_ =	shalt  }
0x81: {  	_ =	shalt  }
0x82: {  	_ =	shalt  }
0x83: {  	_ =	shalt  }
0x84: {  	_ =	shalt  }
0x85: {  	_ =	shalt  }
0x86: {  	_ =	shalt  }
0x87: {  	_ =	shalt  }
.Lfunc_end0:
.L_simem_size_0:
called_computation.1_lowered:
.L_overlay_start_0:
0x88: {  	s2 =	sld [smem:$0x3FD9]  }
0x89: {  	s3 =	sld [smem:$0x3FFE];
	_ =	sdelay $0x1  }
0x8a: {  	s1 =	srdreg.scid  }
0x8b: {  	s0 =	sand.u32 $0x1, s1  }
0x8c: {  	s14 =	sshll.u32 s0, $0xA;
	s2 =	sadd.s32 s3, s2  }
0x8d: {  	s2 =	sadd.s32 s2, s14  }
0x8e: {  	[smem:$0x3FC6] =	sst s2  }
0x8f: {  	_ = 	snop  }
0x90: {  	s2 =	sld [smem:$0x3FD0];
	_ =	sdelay $0x2  }
0x91: {  	s15 =	simm.s32 $0xA;
	s4 =	simm.s32 $0x10  }
0x92: {  	[smem:s4], [sflag:s15] =	dma.local [hbm:s2], $0x1  }
0x93: {  	_ =	swait.eq [sflag:s15], $0x1  }
0x94: {  	[sflag:s15] =	ssyncset.done $0x0  }
0x95: {  	[sflag:s15] =	ssyncadd.s32 $0xFFFFFFFF  }
0x96: {  	s16 =	sld [smem:$0x10];
	(tm) =	ssettm $0x1  }
0x97: {  	s17 =	sld [smem:$0x3FFB];
	_ =	sdelay $0x3  }
0x98: {  	_ =	strace s17  }
0x99: {  	s3 =	sld [smem:$0x3FFC];
	_ =	sdelay $0x3  }
0x9a: {  	_ =	strace s3  }
0x9b: {  	s3 =	sld [smem:$0x3FFD];
	_ =	sdelay $0x3  }
0x9c: {  	_ =	strace s3  }
0x9d: {  	_ =	strace $0x8FFFFFFF  }
0x9e: {  	s18 =	sld [smem:$0x3FDB];
	_ =	sdelay $0x1  }
0x9f: {  	s19 =	simm.s32 $_scs_section_size  }
0xa0: {  	s5 =	simm.s32 $_size__tile_overlayer_lowered;
	s6 =	simm.s32 $_tile_overlayer_lowered  }
0xa1: {  	s22 =	simm.s32 $0x1BFF;
	s21 =	sshll.u32 s6, $0x1;
	s3 =	sadd.s32 s19, s18  }
0xa2: {  	s7 =	simm.s32 $0x0;
	s20 =	sshll.u32 s5, $0x1;
	s5 =	sadd.s32 s21, s3  }
0xa3: {  	[timem:s7], [sflag:s22] =	dma.local [hbm:s5], s20  }
0xa4: {  	_ =	swait.ge [sflag:s22], s20  }
0xa5: {  	s4 =	ssub.s32 $0x0, s20;
	[sflag:s22] =	ssyncset.done $0x0  }
0xa6: {  	[sflag:s22] =	ssyncadd.s32 s4;
	_ =	sdelay $0x1  }
0xa7: {  	s23 =	simm.s32 $0x1B8B  }
0xa8: {  	_ =	swait.ge [sflag:s23], $0x1  }
0xa9: {  	[sflag:s23] =	ssyncset.done $0x0  }
0xaa: {  	s25 =	simm.s32 $0x1B8E;
	s24 =	sld [smem:$0x3FFE];
	[sflag:s23] =	ssyncadd.s32 $0xFFFFFFFF  }
0xab: {  	s26 =	simm.s32 $execute0_lowered;
	[smem:$0x3FD2] =	sst s25  }
0xac: {  	s5 =	sshll.u32 s26, $0x1;
	_ =	strace $0x80000046;
	[dreg:$0x1] =	wrdreg $0xFFFFFFFF  }
0xad: {  	s28 =	simm.s32 $_size_execute0_lowered;
	s3 =	sadd.s32 s3, s5;
	[dreg:$0x0] =	wrdreg $0x0  }
0xae: {  	s5 =	sshll.u32 s28, $0x1;
	[dreg:$0x2] =	wrdreg s3  }
0xaf: {  	[dreg:$0x3] =	wrdreg s5  }
0xb0: {  	[dreg:$0x4] =	wrdreg $0xC0  }
0xb1: {  	_ =	task [dreg:s7], $0x5FFFF  }
0xb2: {  	[dreg:$0x1] =	wrdreg $0xFFFFFFFF  }
0xb3: {  	[dreg:$0x0] =	wrdreg $0x60  }
0xb4: {  	[dreg:$0x2] =	wrdreg s16  }
0xb5: {  	[dreg:$0x3] =	wrdreg s24  }
0xb6: {  	[dreg:$0x4] =	wrdreg $0x9  }
0xb7: {  	_ =	task.clear_ibuf [dreg:s7], $0x5FFFF;
	_ =	strace $0x90000046  }
0xb8: {  	s29 =	simm.s32 $0x9;
	_ =	strace $0x80000048  }
0xb9: {  	_ =	swait.ge [sflag:s29], $0x1  }
0xba: {  	[sflag:s29] =	ssyncadd.s32 $0xFFFFFFFF  }
0xbb: {  	_ =	strace $0x90000048  }
0xbc: {  	_ =	sfence  }
0xbd: {  	s30 =	sld [smem:$0x0];
	_ =	sdelay $0x2  }
0xbe: {  	s31 =	sshll.u32 s1, $0xD;
	s1 =	sshrl.u32 s1, $0x2  }
0xbf: {  	s3 =	sand.u32 $0x4000, s31;
	s1 =	sadd.s32 s1, s30  }
0xc0: {  	s0 =	sor.u32 s3, s0;
	s1 =	sshll.u32 s1, $0x11  }
0xc1: {  	s0 =	sor.u32 s1, s0  }
0xc2: {  	s0 =	sadd.s32 $0x8F2B, s0  }
0xc3: {  	[sflag:s0] =	ssyncadd.remote.s32 $0x1  }
0xc4: {  	_ =	sfence.sel $0xFFFF  }
0xc5: {  	[dreg:$0x0] =	wrdreg $0xFFFFFFFF;
	(pc) =	sbr.abs _section_cstart, $3  }
0xc6: {  	[dreg:$0x1] =	wrdreg $0xFFFFFFFF  }
0xc7: {  	_ =	task.clear_ibuf [dreg:s7], $0x2FFFF;
	_ =	strace $0x9FFFFFFF  }
0xc8: {  	(tm) =	ssettm $0x7FFFFFFF  }
0xc9: {  	_ =	shalt  }
tec
execute0_lowered:
.L_overlay_start_1:
0x0: {  	(tag) =	ssettag $0x1  }
0x1: {  	s0 =	rddreg [dreg:$0x0]  }
0x2: {  	s1 =	rddreg [dreg:$0x1]  }
0x3: {  	s2 =	srdreg.scid;
	s10 =	stileid.u32;
	s4 =	simm.s32 $0x0  }
0x4: {  	s14 =	simm.s32 $0x9;
	s15 =	simm.s32 $0x190;
	s16 =	simm.s32 $0x6400  }
0x5: {  	s17 =	simm.s32 $0xC800;
	s19 =	simm.s32 $0x12C00;
	s28 =	simm.s32 $0x4  }
0x6: {  	s29 =	simm.s32 $0x5;
	s30 =	simm.s32 $0x6;
	s8 =	smul.u32 $0xC800, s10  }
0x7: {  	s2 =	sand.u32 $0x1, s2;
	s3 =	sshll.u32 s10, $0x1;
	s26 =	smul.u32 $0xC8000, s10  }
0x8: {  	[smem:$0x7FF] =	sst s4;
	s21 =	sor.u32 s2, s3;
	s9 =	smul.u32 $0x6400, s2  }
0x9: {  	s31 =	simm.s32 $0x7;
	_ =	strace $0x80000047;
	s5 =	smul.u32 $0x320000, s21  }
0xa: {  	s3 =	sadd.s32 $0xF63000, s1;
	s6 =	ssub.s32 $0x2, s2;
	s4 =	smul.u32 $0x6400, s21  }
0xb: {  	s1 =	sadd.s32 $0x20C00, s1;
	s2 =	smul.u32 $0x64000, s2;
	s7 =	sshrl.u32 s6, $0x1  }
0xc: {  	s21 =	simm.s32 $0x19000;
	s5 =	sshrl.u32 s5, $0x3;
	s4 =	sshrl.u32 s4, $0x3  }
0xd: {  	s6 =	ssub.s32 s6, s7;
	s5 =	sadd.s32 s1, s5;
	s0 =	sadd.s32 s0, s4  }
0xe: {  	s25 =	sadd.s32 s9, s8;
	[dreg:$0x3] =	wrdreg s0;
	s22 =	sadd.s32 $0x5DC00, s5  }
0xf: {  	s9 =	smax.u32 s6, $0x1;
	s23 =	sadd.s32 $0x5F500, s5;
	[dreg:$0x4] =	wrdreg s22  }
0x10: {  	s24 =	sadd.s32 $0x60E00, s5;
	s8 =	sadd.s32 $0x62700, s5;
	[dreg:$0x5] =	wrdreg s23  }
0x11: {  	s0 =	sshll.u32 s25, $0x4;
	s25 =	simm.s32 $0x2;
	[dreg:$0x6] =	wrdreg s24  }
0x12: {  	s0 =	sadd.s32 s0, s1;
	s1 =	sadd.s32 s26, s1;
	s22 =	simm.s32 $0x1  }
0x13: {  	s23 =	simm.s32 $0x40;
	s24 =	simm.s32 $0x80;
	s26 =	simm.s32 $0x3  }
0x14: {  	s10 =	sadd.s32 $0x4B00, s0;
	s11 =	sadd.s32 $0x3200, s0;
	s12 =	sadd.s32 $0x1900, s0  }
0x15: {  	s13 =	sadd.s32 s2, s1;
	s0 =	simm.s32 $0x8;
	s1 =	simm.s32 $0x0  }
.LBB2_1:
0x16: {  	s2 =	simm.s32 $0x0;
	s4 =	rddreg [dreg:$0x3]  }
0x17: {  	[tilespmem:s2], [sflag:$0x9] =	stream.linear.gather [hbm4b:s4+s2], $0x6400, $0x38;
	[tilespmem:$0x1F400] =	vst v63  }
0x18: {  	_ =	swait.ge [sflag:s14], $0x6400  }
0x19: {  	[sflag:s14] =	ssyncset.done $0x0  }
0x1a: {  	[sflag:s14] =	ssyncadd.s32 $0xFFFF9C00  }
0x1b: {  	[tilespmem:s16], [sflag:$0x1] =	stream.indirect.gather [hbm4b:s3+s15], $0x40, s2, s15, $0xb8;
	[tilespmem:$0x1F400] =	vst v63  }
0x1c: {  	_ = 	snop  }
0x1d: {  	[tilespmem:s17], [sflag:$0x2] =	stream.indirect.gather [hbm4b:s3+s15], $0x40, s15, s15, $0xb8;
	[tilespmem:$0x1F400] =	vst v63  }
0x1e: {  	s5 =	simm.s32 $0x320  }
0x1f: {  	[tilespmem:s19], [sflag:$0x3] =	stream.indirect.gather [hbm4b:s3+s15], $0x40, s5, s15, $0xb8;
	[tilespmem:$0x1F400] =	vst v63  }
0x20: {  	s6 =	simm.s32 $0x4B0  }
0x21: {  	[tilespmem:s21], [sflag:$0x4] =	stream.indirect.gather [hbm4b:s3+s15], $0x40, s6, s15, $0xb8;
	[tilespmem:$0x1F400] =	vst v63  }
0x22: {  	_ =	swait.ge [sflag:s22], $0x6400  }
0x23: {  	[sflag:s22] =	ssyncset.done $0x0  }
0x24: {  	[sflag:s22] =	ssyncadd.s32 $0xFFFF9C00  }
0x25: {  	[hbm4b:s13+s23] =	stream.strided.scatter [tilespmem:s16], [sflag:$0x5], $0x6400, s24, s23, $0x38;
	[tilespmem:$0x1F400] =	vst v63  }
0x26: {  	_ =	swait.ge [sflag:s25], $0x6400  }
0x27: {  	[sflag:s25] =	ssyncset.done $0x0  }
0x28: {  	[sflag:s25] =	ssyncadd.s32 $0xFFFF9C00  }
0x29: {  	[hbm4b:s12+s23] =	stream.strided.scatter [tilespmem:s17], [sflag:$0x6], $0x6400, s24, s23, $0x38;
	[tilespmem:$0x1F400] =	vst v63  }
0x2a: {  	_ =	swait.ge [sflag:s26], $0x6400  }
0x2b: {  	[sflag:s26] =	ssyncset.done $0x0  }
0x2c: {  	[sflag:s26] =	ssyncadd.s32 $0xFFFF9C00  }
0x2d: {  	[hbm4b:s11+s23] =	stream.strided.scatter [tilespmem:s19], [sflag:$0x7], $0x6400, s24, s23, $0x38;
	[tilespmem:$0x1F400] =	vst v63  }
0x2e: {  	_ =	swait.ge [sflag:s28], $0x6400  }
0x2f: {  	[sflag:s28] =	ssyncset.done $0x0  }
0x30: {  	[sflag:s28] =	ssyncadd.s32 $0xFFFF9C00  }
0x31: {  	[hbm4b:s10+s23] =	stream.strided.scatter [tilespmem:s21], [sflag:$0x8], $0x6400, s24, s23, $0x38;
	[tilespmem:$0x1F400] =	vst v63  }
0x32: {  	_ =	swait.ge [sflag:s29], $0x6400  }
0x33: {  	[sflag:s29] =	ssyncset.done $0x0  }
0x34: {  	s7 =	simm.s32 $0x640;
	[sflag:s29] =	ssyncadd.s32 $0xFFFF9C00  }
0x35: {  	[tilespmem:s16], [sflag:$0x1] =	stream.indirect.gather [hbm4b:s3+s15], $0x40, s7, s15, $0xb8;
	[tilespmem:$0x1F400] =	vst v63  }
0x36: {  	_ =	swait.ge [sflag:s30], $0x6400  }
0x37: {  	[sflag:s30] =	ssyncset.done $0x0  }
0x38: {  	s18 =	simm.s32 $0x7D0;
	[sflag:s30] =	ssyncadd.s32 $0xFFFF9C00  }
0x39: {  	[tilespmem:s17], [sflag:$0x2] =	stream.indirect.gather [hbm4b:s3+s15], $0x40, s18, s15, $0xb8;
	[tilespmem:$0x1F400] =	vst v63  }
0x3a: {  	_ =	swait.ge [sflag:s31], $0x6400  }
0x3b: {  	[sflag:s31] =	ssyncset.done $0x0  }
0x3c: {  	s20 =	simm.s32 $0x960;
	[sflag:s31] =	ssyncadd.s32 $0xFFFF9C00  }
0x3d: {  	[tilespmem:s19], [sflag:$0x3] =	stream.indirect.gather [hbm4b:s3+s15], $0x40, s20, s15, $0xb8;
	[tilespmem:$0x1F400] =	vst v63  }
0x3e: {  	s4 =	sadd.s32 $0x6400, s12;
	s2 =	sadd.s32 $0x6400, s11;
	_ =	swait.ge [sflag:s0], $0x6400  }
0x3f: {  	s5 =	sadd.s32 $0x6400, s10;
	s6 =	simm.s32 $0xAF0;
	[sflag:s0] =	ssyncset.done $0x0  }
0x40: {  	s18 =	simm.s32 $0x1900;
	s20 =	sadd.s32 $0x6400, s13;
	[sflag:s0] =	ssyncadd.s32 $0xFFFF9C00  }
.LBB2_2:
0x41: {  	[tilespmem:s21], [sflag:$0x4] =	stream.indirect.gather [hbm4b:s3+s15], $0x40, s6, s15, $0xb8;
	[tilespmem:$0x1F400] =	vst v63  }
0x42: {  	s6 =	smov.u32 s18  }
0x43: {  	p0 =	sne.s32 s18, $0x15E00;
	s18 =	sadd.s32 $0x1900, s18;
	_ =	swait.ge [sflag:s22], $0x6400  }
0x44: {  	[sflag:s22] =	ssyncset.done $0x0  }
0x45: {  	[sflag:s22] =	ssyncadd.s32 $0xFFFF9C00  }
0x46: {  	[hbm4b:s20+s23] =	stream.strided.scatter [tilespmem:s16], [sflag:$0x5], $0x6400, s24, s23, $0x38;
	[tilespmem:$0x1F400] =	vst v63  }
0x47: {  	_ =	swait.ge [sflag:s25], $0x6400  }
0x48: {  	[sflag:s25] =	ssyncset.done $0x0  }
0x49: {  	[sflag:s25] =	ssyncadd.s32 $0xFFFF9C00  }
0x4a: {  	[hbm4b:s4+s23] =	stream.strided.scatter [tilespmem:s17], [sflag:$0x6], $0x6400, s24, s23, $0x38;
	[tilespmem:$0x1F400] =	vst v63  }
0x4b: {  	_ =	swait.ge [sflag:s26], $0x6400  }
0x4c: {  	[sflag:s26] =	ssyncset.done $0x0  }
0x4d: {  	[sflag:s26] =	ssyncadd.s32 $0xFFFF9C00  }
0x4e: {  	[hbm4b:s2+s23] =	stream.strided.scatter [tilespmem:s19], [sflag:$0x7], $0x6400, s24, s23, $0x38;
	[tilespmem:$0x1F400] =	vst v63  }
0x4f: {  	_ =	swait.ge [sflag:s28], $0x6400  }
0x50: {  	[sflag:s28] =	ssyncset.done $0x0  }
0x51: {  	[sflag:s28] =	ssyncadd.s32 $0xFFFF9C00  }
0x52: {  	[hbm4b:s5+s23] =	stream.strided.scatter [tilespmem:s21], [sflag:$0x8], $0x6400, s24, s23, $0x38;
	[tilespmem:$0x1F400] =	vst v63  }
0x53: {  	_ =	swait.ge [sflag:s29], $0x6400  }
0x54: {  	s6 =	sshra.s32 s6, $0x2;
	[sflag:s29] =	ssyncset.done $0x0  }
0x55: {  	s7 =	sadd.s32 $0x640, s6;
	[sflag:s29] =	ssyncadd.s32 $0xFFFF9C00  }
0x56: {  	[tilespmem:s16], [sflag:$0x1] =	stream.indirect.gather [hbm4b:s3+s15], $0x40, s7, s15, $0xb8;
	[tilespmem:$0x1F400] =	vst v63  }
0x57: {  	_ =	swait.ge [sflag:s30], $0x6400  }
0x58: {  	[sflag:s30] =	ssyncset.done $0x0  }
0x59: {  	s7 =	sadd.s32 $0x7D0, s6;
	[sflag:s30] =	ssyncadd.s32 $0xFFFF9C00  }
0x5a: {  	[tilespmem:s17], [sflag:$0x2] =	stream.indirect.gather [hbm4b:s3+s15], $0x40, s7, s15, $0xb8;
	[tilespmem:$0x1F400] =	vst v63  }
0x5b: {  	_ =	swait.ge [sflag:s31], $0x6400  }
0x5c: {  	[sflag:s31] =	ssyncset.done $0x0  }
.Ltmp0:
0x5d: {  	s7 =	sadd.s32 $0x960, s6;
	[sflag:s31] =	ssyncadd.s32 $0xFFFF9C00;
	(pc) =	sbr.rel @p0 .LBB2_2-.Ltmp0, $4  }
0x5e: {  	[tilespmem:s19], [sflag:$0x3] =	stream.indirect.gather [hbm4b:s3+s15], $0x40, s7, s15, $0xb8;
	[tilespmem:$0x1F400] =	vst v63  }
0x5f: {  	s20 =	sadd.s32 $0x6400, s20;
	_ =	swait.ge [sflag:s0], $0x6400  }
0x60: {  	s4 =	sadd.s32 $0x6400, s4;
	s2 =	sadd.s32 $0x6400, s2;
	[sflag:s0] =	ssyncset.done $0x0  }
0x61: {  	s5 =	sadd.s32 $0x6400, s5;
	s6 =	sadd.s32 $0xAF0, s6;
	[sflag:s0] =	ssyncadd.s32 $0xFFFF9C00  }
0x62: {  	[tilespmem:s21], [sflag:$0x4] =	stream.indirect.gather [hbm4b:s3+s15], $0x40, s6, s15, $0xb8;
	[tilespmem:$0x1F400] =	vst v63  }
0x63: {  	_ =	swait.ge [sflag:s22], $0x6400  }
0x64: {  	[sflag:s22] =	ssyncset.done $0x0  }
0x65: {  	s2 =	rddreg [dreg:$0x4];
	[sflag:s22] =	ssyncadd.s32 $0xFFFF9C00  }
0x66: {  	[hbm4b:s2+s23] =	stream.strided.scatter [tilespmem:s16], [sflag:$0x5], $0x6400, s24, s23, $0x38;
	[tilespmem:$0x1F400] =	vst v63  }
0x67: {  	_ =	swait.ge [sflag:s25], $0x6400  }
0x68: {  	[sflag:s25] =	ssyncset.done $0x0  }
0x69: {  	s18 =	rddreg [dreg:$0x5];
	[sflag:s25] =	ssyncadd.s32 $0xFFFF9C00  }
0x6a: {  	[hbm4b:s18+s23] =	stream.strided.scatter [tilespmem:s17], [sflag:$0x6], $0x6400, s24, s23, $0x38;
	[tilespmem:$0x1F400] =	vst v63  }
0x6b: {  	_ =	swait.ge [sflag:s26], $0x6400  }
0x6c: {  	[sflag:s26] =	ssyncset.done $0x0  }
0x6d: {  	s20 =	rddreg [dreg:$0x6];
	[sflag:s26] =	ssyncadd.s32 $0xFFFF9C00  }
0x6e: {  	[hbm4b:s20+s23] =	stream.strided.scatter [tilespmem:s19], [sflag:$0x7], $0x6400, s24, s23, $0x38;
	[tilespmem:$0x1F400] =	vst v63  }
0x6f: {  	_ =	swait.ge [sflag:s28], $0x6400  }
0x70: {  	[sflag:s28] =	ssyncset.done $0x0  }
0x71: {  	[sflag:s28] =	ssyncadd.s32 $0xFFFF9C00  }
0x72: {  	[hbm4b:s8+s23] =	stream.strided.scatter [tilespmem:s21], [sflag:$0x8], $0x6400, s24, s23, $0x38;
	[tilespmem:$0x1F400] =	vst v63  }
0x73: {  	_ =	swait.ge [sflag:s29], $0x6400  }
0x74: {  	[sflag:s29] =	ssyncset.done $0x0  }
0x75: {  	[sflag:s29] =	ssyncadd.s32 $0xFFFF9C00  }
0x76: {  	_ =	swait.ge [sflag:s30], $0x6400  }
0x77: {  	[sflag:s30] =	ssyncset.done $0x0  }
0x78: {  	s1 =	sadd.s32 $0x1, s1;
	[sflag:s30] =	ssyncadd.s32 $0xFFFF9C00  }
0x79: {  	p0 =	sne.s32 s1, s9;
	_ =	swait.ge [sflag:s31], $0x6400  }
.Ltmp1:
0x7a: {  	[sflag:s31] =	ssyncset.done $0x0;
	(pc) =	sbr.rel @p0 .LBB2_1-.Ltmp1, $4  }
0x7b: {  	[sflag:s31] =	ssyncadd.s32 $0xFFFF9C00  }
0x7c: {  	_ =	swait.ge [sflag:s0], $0x6400  }
0x7d: {  	[sflag:s0] =	ssyncset.done $0x0  }
0x7e: {  	[sflag:s0] =	ssyncadd.s32 $0xFFFF9C00  }
0x7f: {  	_ =	sfence.sel $0x180000  }
0x80: {  	[bflag:$0x0] =	sbarrier.arrive $0xFFFF  }
0x81: {  	_ =	strace $0x90000047  }
0x82: {  	s0 =	stileid.u32;
	[bflag:$0x2] =	sbarrier.arrive $0xFFFF  }
0x83: {  	p0 =	sne.s32 s0, $0x0;
	s0 =	rddreg [dreg:$0x2]  }
0x84: {  	s0 =	sadd.s32 @!p0 $0x100000, s0  }
0x85: {  	[sflag:s0] =	ssyncadd.tile.s32 @!p0 $0x1;
	_ =	shalt  }
.Lfunc_end2:
_tile_overlayer_lowered:
.L_overlay_start_2:
0x86: {  	(tag) =	ssettag $0x2  }
0x87: {  	s0 =	rddreg [dreg:$0x0];
	s2 =	stileid.u32  }
0x88: {  	s1 =	rddreg [dreg:$0x1];
	p0 =	sne.s32 s2, $0x0  }
0x89: {  	s3 =	rddreg [dreg:$0x2];
	[bflag:$0x3] =	sbarrier.arrive $0xFFFF;
	s2 =	simm.s32 @!p0 $0x1C09  }
0x8a: {  	[timem:s3], [sflag:s2] =	dma.local @!p0 [hbm:s0], s1  }
0x8b: {  	s0 =	simm.s32 @!p0 $0x9  }
0x8c: {  	_ =	swait.ge @!p0 [sflag:s0], s1  }
0x8d: {  	s1 =	ssub.s32 @!p0 $0x0, s1;
	[sflag:s0] =	ssyncset.done @!p0 $0x0  }
0x8e: {  	[sflag:s0] =	ssyncadd.s32 @!p0 s1  }
0x8f: {  	[bflag:$0x3] =	sbarrier.arrive $0xFFFF  }
0x90: {  	_ =	shalt  }

// kernel: sparse-core-data-format-call.cloned.1.call-start
scs
called_computation_lowered:
.L_overlay_start_0:
0x0: {  	s2 =	sld [smem:$0x3FD9]  }
0x1: {  	s3 =	sld [smem:$0x3FFE];
	_ =	sdelay $0x1  }
0x2: {  	s1 =	srdreg.scid  }
0x3: {  	s0 =	sand.u32 $0x1, s1  }
0x4: {  	s15 =	sshll.u32 s0, $0xA;
	s2 =	sadd.s32 s3, s2  }
0x5: {  	s2 =	sadd.s32 s2, s15  }
0x6: {  	[smem:$0x3FC6] =	sst s2  }
0x7: {  	_ = 	snop  }
0x8: {  	s2 =	sld [smem:$0x3FD0];
	_ =	sdelay $0x2  }
0x9: {  	s16 =	simm.s32 $0xA;
	s4 =	simm.s32 $0x10  }
0xa: {  	[smem:s4], [sflag:s16] =	dma.local [hbm:s2], $0x1  }
0xb: {  	_ =	swait.eq [sflag:s16], $0x1  }
0xc: {  	[sflag:s16] =	ssyncset.done $0x0  }
0xd: {  	[sflag:s16] =	ssyncadd.s32 $0xFFFFFFFF  }
0xe: {  	s17 =	sld [smem:$0x10];
	(tm) =	ssettm $0x1  }
0xf: {  	s18 =	sld [smem:$0x3FFB];
	_ =	sdelay $0x3  }
0x10: {  	_ =	strace s18  }
0x11: {  	s3 =	sld [smem:$0x3FFC];
	_ =	sdelay $0x3  }
0x12: {  	_ =	strace s3  }
0x13: {  	s3 =	sld [smem:$0x3FFD];
	_ =	sdelay $0x3  }
0x14: {  	_ =	strace s3  }
0x15: {  	_ =	strace $0x8FFFFFFF  }
0x16: {  	s19 =	sld [smem:$0x3FDB];
	_ =	sdelay $0x1  }
0x17: {  	s20 =	simm.s32 $_scs_section_size  }
0x18: {  	s5 =	simm.s32 $_size__tile_overlayer_lowered;
	s6 =	simm.s32 $_tile_overlayer_lowered  }
0x19: {  	s23 =	simm.s32 $0x1BFF;
	s22 =	sshll.u32 s6, $0x1;
	s3 =	sadd.s32 s20, s19  }
0x1a: {  	s7 =	simm.s32 $0x0;
	s21 =	sshll.u32 s5, $0x1;
	s5 =	sadd.s32 s22, s3  }
0x1b: {  	[timem:s7], [sflag:s23] =	dma.local [hbm:s5], s21  }
0x1c: {  	_ =	swait.ge [sflag:s23], s21  }
0x1d: {  	s4 =	ssub.s32 $0x0, s21;
	[sflag:s23] =	ssyncset.done $0x0  }
0x1e: {  	[sflag:s23] =	ssyncadd.s32 s4;
	_ =	sdelay $0x1  }
0x1f: {  	s24 =	simm.s32 $0x1B8B  }
0x20: {  	_ =	swait.ge [sflag:s24], $0x1  }
0x21: {  	[sflag:s24] =	ssyncset.done $0x0  }
0x22: {  	s26 =	simm.s32 $0x1B8E;
	s25 =	sld [smem:$0x3FFE];
	[sflag:s24] =	ssyncadd.s32 $0xFFFFFFFF  }
0x23: {  	s27 =	simm.s32 $execute0_lowered;
	[smem:$0x3FD2] =	sst s26  }
0x24: {  	s5 =	sshll.u32 s27, $0x1;
	_ =	strace $0x80000049;
	[dreg:$0x1] =	wrdreg $0xFFFFFFFF  }
0x25: {  	s28 =	simm.s32 $_size_execute0_lowered;
	s3 =	sadd.s32 s3, s5;
	[dreg:$0x0] =	wrdreg $0x0  }
0x26: {  	s5 =	sshll.u32 s28, $0x1;
	[dreg:$0x2] =	wrdreg s3  }
0x27: {  	[dreg:$0x3] =	wrdreg s5  }
0x28: {  	[dreg:$0x4] =	wrdreg $0xC0  }
0x29: {  	_ =	task [dreg:s7], $0x5FFFF  }
0x2a: {  	[dreg:$0x1] =	wrdreg $0xFFFFFFFF  }
0x2b: {  	[dreg:$0x0] =	wrdreg $0x60  }
0x2c: {  	[dreg:$0x2] =	wrdreg s25  }
0x2d: {  	[dreg:$0x3] =	wrdreg s17  }
0x2e: {  	[dreg:$0x4] =	wrdreg $0x9  }
0x2f: {  	_ =	task.clear_ibuf [dreg:s7], $0x5FFFF;
	_ =	strace $0x90000049  }
0x30: {  	s29 =	simm.s32 $0x9;
	_ =	strace $0x8000004B  }
0x31: {  	_ =	swait.ge [sflag:s29], $0x1  }
0x32: {  	[sflag:s29] =	ssyncadd.s32 $0xFFFFFFFF  }
0x33: {  	_ =	strace $0x9000004B  }
0x34: {  	_ =	sfence  }
0x35: {  	s30 =	sld [smem:$0x0];
	_ =	sdelay $0x2  }
0x36: {  	s31 =	sshll.u32 s1, $0xD;
	s1 =	sshrl.u32 s1, $0x2  }
0x37: {  	s3 =	sand.u32 $0x4000, s31;
	s1 =	sadd.s32 s1, s30  }
0x38: {  	s0 =	sor.u32 s3, s0;
	s1 =	sshll.u32 s1, $0x11  }
0x39: {  	s0 =	sor.u32 s1, s0  }
0x3a: {  	s0 =	sadd.s32 $0x8F2B, s0  }
0x3b: {  	[sflag:s0] =	ssyncadd.remote.s32 $0x1  }
0x3c: {  	_ =	sfence.sel $0xFFFF  }
0x3d: {  	[dreg:$0x0] =	wrdreg $0xFFFFFFFF;
	(pc) =	sbr.abs _section_cstart, $3  }
0x3e: {  	[dreg:$0x1] =	wrdreg $0xFFFFFFFF  }
0x3f: {  	_ =	task.clear_ibuf [dreg:s7], $0x2FFFF;
	_ =	strace $0x9FFFFFFF  }
0x40: {  	(tm) =	ssettm $0x7FFFFFFF  }
0x41: {  	_ =	shalt  }
tec
execute0_lowered:
.L_overlay_start_1:
0x0: {  	(tag) =	ssettag $0x1  }
0x1: {  	s0 =	srdreg.scid  }
0x2: {  	s1 =	sshll.u32 s0, $0x4  }
0x3: {  	s0 =	stileid.u32;
	s1 =	sand.u32 $0x10, s1  }
0x4: {  	s1 =	sor.u32 s0, s1  }
0x5: {  	s6 =	rddreg [dreg:$0x0];
	s4 =	simm.s32 $0x1;
	s2 =	sshll.u32 s1, $0x7  }
0x6: {  	s7 =	simm.s32 $0x2;
	s12 =	simm.s32 $0x0;
	s1 =	ssub.s32 $0x1000, s2  }
0x7: {  	s8 =	simm.s32 $0x8000;
	s13 =	simm.s32 $0x0;
	s3 =	sand.u32 $0xF80, s1  }
0x8: {  	s9 =	simm.s32 $0x0;
	s5 =	sshrl.u32 s1, $0xC;
	p0 =	sne.s32 s3, $0x0  }
.Ltmp0:
0x9: {  	s1 =	rddreg [dreg:$0x2];
	s4 =	simm.s32 @!p0 $0x0;
	(pc) =	sbr.rel .LBB1_1-.Ltmp0, $4  }
0xa: {  	s11 =	simm.s32 $0x0;
	s3 =	rddreg [dreg:$0x1];
	s5 =	sadd.s32 s4, s5  }
0xb: {  	_ =	strace $0x8000004A;
	s4 =	simm.s32 $0x1;
	s5 =	smul.u32 $0xC8, s5  }
0xc: {  	s6 =	sadd.s32 $0x20C00, s6;
	s10 =	smov.u32 s2;
	[sflag:s4] =	ssyncpa.u1 $0x0  }
0xd: {  	p0 =	por $0x0, $0x0;
	[sflag:s7] =	ssyncpa.u1 $0x0;
	s7 =	sor.u32 $0x1, s5  }
.LBB1_4:
0xe: {  	s16 =	sshll.u32 s13, $0x3;
	s17 =	sand.u32 $0x78, s13  }
0xf: {  	s30 =	sand.u32 $0x7E00, s13;
	s12 =	sshll.u32 s12, $0xF;
	s16 =	sand.u32 $0xC00, s16  }
0x10: {  	[tilespmem:s15+$0x810 ss:$0x81] =	vst.msk $0xffff, v2;
	s31 =	sand.u32 $0x7, s13;
	s16 =	sor.u32 s17, s16;
	s17 =	sadd.s32 s3, s30  }
0x11: {  	[tilespmem:s15+$0x1020 ss:$0x81] =	vst.msk $0xffff, v0;
	s13 =	sshll.u32 s31, $0x12;
	s12 =	sadd.s32 s12, s17;
	s16 =	sshrl.u32 s16, $0x3  }
0x12: {  	[tilespmem:s15+$0x0 ss:$0x81] =	vst.msk $0xffff, v1;
	s13 =	sor.u32 $0x400, s13;
	s12 =	sadd.s32 s16, s12  }
0x13: {  	[hbm4b:s12+s13] =	stream.strided.scatter [tilespmem:s14], [sflag:$0x2], $0x2000, s8, s13, $0x20;
	[tilespmem:$0x8080] =	vst v63  }
.LBB1_5:
0x14: {  	s14 =	sadd.s32 $0x1, s9  }
0x15: {  	s12 =	sadd.s32 $0x1000, s10;
	s16 =	smov.u32 s10;
	p2 =	sgt.s32 s14, $0xC7  }
0x16: {  	s16 =	smov.u32 @p2 s12  }
0x17: {  	s14 =	simm.s32 @p2 $0x0;
	p2 =	sgt.s32 s16, $0xFFF  }
0x18: {  	s16 =	smov.u32 @p2 s2;
	p2 =	sne.s32 s11, s7  }
.Ltmp1:
0x19: {  	p1 =	slt.u32 s11, $0x2;
	(pc) =	sbr.rel @!p2 .LBB1_6-.Ltmp1, $4  }
0x1a: {  	s15 =	simm.s32 @!p1 $0x2  }
0x1b: {  	s13 =	smov.u32 s10;
	p0 =	por !p0, !p0;
	_ =	swait.ge @!p1 [sflag:s15], $0x2000  }
0x1c: {  	s12 =	smov.u32 s9;
	[sflag:s15] =	ssyncset.done @!p1 $0x0;
	s9 =	smov.u32 s14  }
0x1d: {  	s11 =	sadd.s32 $0x1, s11;
	[sflag:s15] =	ssyncadd.s32 @!p1 $0xFFFFE000;
	s10 =	smov.u32 s16  }
.LBB1_1:
0x1e: {  	p1 =	sge.u32 s11, s5  }
0x1f: {  	s14 =	sand.u32 @!p1 $0x1FFFFFF, s9  }
0x20: {  	s15 =	smulhi.u32 @!p1 $0x147AE15, s14;
	_ =	sdelay $0x1  }
0x21: {  	s15 =	smul.u32 @!p1 $0xC8, s15  }
0x22: {  	s16 =	sxor.u32 @!p1 $0xFFFFFFFF, s11;
	s17 =	smul.u32 @!p1 $0xC80, s10  }
0x23: {  	s31 =	sadd.s32 $0xFFFFFFFF, s11;
	s16 =	sshll.u32 @!p1 s16, $0xD;
	s14 =	ssub.s32 @!p1 s14, s15  }
0x24: {  	s15 =	sand.u32 @!p1 $0x2000, s16;
	s16 =	sadd.s32 @!p1 s6, s17;
	s14 =	sshll.u32 @!p1 s14, $0x4  }
0x25: {  	s17 =	simm.s32 @!p1 $0x6400;
	s14 =	sadd.s32 @!p1 s14, s16;
	s16 =	simm.s32 @!p1 $0x40  }
0x26: {  	[tilespmem:s15], [sflag:$0x1] =	stream.strided.gather @!p1 [hbm4b:s14+s16], $0x2000, s17, s16, $0x38;
	[tilespmem:$0x8080] =	vst v63  }
0x27: {  	p1 =	sge.u32 s31, s5  }
.Ltmp2:
0x28: {  	_ = 	snop;
	(pc) =	sbr.rel @p1 .LBB1_5-.Ltmp2, $1  }
0x29: {  	_ =	sdelay $0x3  }
0x2a: {  	s14 =	simm.s32 $0x1  }
0x2b: {  	_ =	swait.ge [sflag:s4], $0x2000;
	s14 =	simm.s32 @!p0 $0x0  }
0x2c: {  	[sflag:s4] =	ssyncset.done $0x0;
	s15 =	sshll.u32 s14, $0xD  }
0x2d: {  	[sflag:s4] =	ssyncadd.s32 $0xFFFFE000;
	s18 =	sor.u32 $0x20, s15  }
0x2e: {  	s14 =	smul.u32 $0x8100, s14;
	v3 =	vld [tilespmem:s18+$0x10]  }
0x2f: {  	s30 =	sand.u32 $0x1, s11;
	v2 =	vld [tilespmem:s18+$0xFFFFFFF0]  }
0x30: {  	s15 =	smul.u32 $0x8100, s30;
	s14 =	sshrl.u32 s14, $0x2;
	v0 =	vld [tilespmem:s18+$0x0]  }
0x31: {  	v1 =	vld [tilespmem:s18+$0xFFFFFFE0];
	s16 =	sor.u32 $0x4000, s14  }
0x32: {  	s31 =	sshrl.u32 s15, $0x2;
	s15 =	sadd.s32 $0x0, s16  }
0x33: {  	s17 =	simm.s32 $0x4;
	s18 =	sadd.s32 $0x40, s18;
	s14 =	sor.u32 $0x4000, s31;
	[tilespmem:s15+$0x1830 ss:$0x81] =	vst.msk $0xffff, v3  }
.LBB1_3:
0x34: {  	v3 =	vld [tilespmem:s18+$0x10];
	p1 =	sne.s32 s17, $0x1FC;
	[tilespmem:s15+$0x810 ss:$0x81] =	vst.msk $0xffff, v2;
	s19 =	smov.u32 s17;
	s17 =	sadd.s32 $0x4, s17  }
.Ltmp3:
0x35: {  	v2 =	vld [tilespmem:s18+$0xFFFFFFF0];
	[tilespmem:s15+$0x1020 ss:$0x81] =	vst.msk $0xffff, v0;
	(pc) =	sbr.rel @p1 .LBB1_3-.Ltmp3, $4  }
0x36: {  	v0 =	vld [tilespmem:s18+$0x0];
	[tilespmem:s15+$0x0 ss:$0x81] =	vst.msk $0xffff, v1  }
0x37: {  	s15 =	sshra.s32 s19, $0x2;
	v1 =	vld [tilespmem:s18+$0xFFFFFFE0]  }
0x38: {  	s15 =	sadd.s32 s15, s16  }
0x39: {  	s18 =	sadd.s32 $0x40, s18;
	[tilespmem:s15+$0x1830 ss:$0x81] =	vst.msk $0xffff, v3  }
.Ltmp4:
0x3a: {  	_ = 	snop;
	(pc) =	sbr.rel .LBB1_4-.Ltmp4, $1  }
0x3b: {  	_ =	sdelay $0x3  }
.LBB1_6:
0x3c: {  	_ =	sfence.sel $0x180000  }
0x3d: {  	s2 =	simm.s32 $0x1;
	[bflag:$0x0] =	sbarrier.arrive $0xFFFF  }
0x3e: {  	s31 =	simm.s32 $0x2;
	[sflag:s2] =	ssyncpa.u1 $0x1  }
0x3f: {  	[sflag:s31] =	ssyncpa.u1 $0x1  }
0x40: {  	p0 =	sne.s32 s0, $0x0;
	_ =	strace $0x9000004A  }
0x41: {  	s0 =	sadd.s32 @!p0 $0x100000, s1;
	[bflag:$0x2] =	sbarrier.arrive $0xFFFF  }
0x42: {  	[sflag:s0] =	ssyncadd.tile.s32 @!p0 $0x1;
	_ =	shalt  }
.Lfunc_end1:
_tile_overlayer_lowered:
.L_overlay_start_2:
0x43: {  	(tag) =	ssettag $0x2  }
0x44: {  	s0 =	rddreg [dreg:$0x0];
	s2 =	stileid.u32  }
0x45: {  	s1 =	rddreg [dreg:$0x1];
	p0 =	sne.s32 s2, $0x0  }
0x46: {  	s3 =	rddreg [dreg:$0x2];
	[bflag:$0x3] =	sbarrier.arrive $0xFFFF;
	s2 =	simm.s32 @!p0 $0x1C01  }
0x47: {  	[timem:s3], [sflag:s2] =	dma.local @!p0 [hbm:s0], s1  }
0x48: {  	s0 =	simm.s32 @!p0 $0x1  }
0x49: {  	_ =	swait.ge @!p0 [sflag:s0], s1  }
0x4a: {  	s1 =	ssub.s32 @!p0 $0x0, s1;
	[sflag:s0] =	ssyncset.done @!p0 $0x0  }
0x4b: {  	[sflag:s0] =	ssyncadd.s32 @!p0 s1  }
0x4c: {  	[bflag:$0x3] =	sbarrier.arrive $0xFFFF  }
0x4d: {  	_ =	shalt  }

</sc_bundles>
